<compile_context>
chip_gen: v7x
topology: tpu7x:2x2x1
jax: 0.10.2.dev20260603
libtpu: 0.0.44.dev20260713+nightly
codegen_flags: <defaults>
</compile_context>

<pallas_src>
import functools

import numpy as np

import jax
import jax.numpy as jnp
from jax import lax
from jax.experimental import pallas as pl
from jax.experimental.pallas import tpu as pltpu
from jax.experimental.pallas import tpu_sc as plsc

B = 4096
FIELD = 26
VOCAB = 100000
EMB = 16
H = 32
N = B * FIELD
NC, NS = 2, 16
NW = NC * NS
PER_W = N // NW
CHUNK = 128
NCH = PER_W // CHUNK

_E_NP = np.repeat(np.eye(FIELD, dtype=np.float32), EMB, axis=1)


def _sc_gather(flat_idx, t2, t1):
    mesh = plsc.VectorSubcoreMesh(core_axis_name="c", subcore_axis_name="s")

    @functools.partial(
        pl.kernel,
        out_type=(
            jax.ShapeDtypeStruct((N, EMB), jnp.float32),
            jax.ShapeDtypeStruct((N,), jnp.float32),
        ),
        mesh=mesh,
        scratch_types=[
            pltpu.VMEM((NCH, CHUNK), jnp.int32),
            pltpu.VMEM((PER_W, EMB), jnp.float32),
            pltpu.VMEM((PER_W,), jnp.float32),
            pltpu.SemaphoreType.DMA,
            pltpu.SemaphoreType.DMA,
        ],
        compiler_params=pltpu.CompilerParams(use_tc_tiling_on_sc=False),
    )
    def k(idx_hbm, t2_hbm, t1_hbm, out2_hbm, out1_hbm,
          idx_v, rows2_v, rows1_v, sem2, sem1):
        wid = lax.axis_index("s") * NC + lax.axis_index("c")
        base = wid * PER_W
        pltpu.sync_copy(idx_hbm.at[wid], idx_v)

        def fire(j, carry):
            pltpu.async_copy(
                t2_hbm.at[idx_v.at[j]], rows2_v.at[pl.ds(j * CHUNK, CHUNK)],
                sem2)
            pltpu.async_copy(
                t1_hbm.at[idx_v.at[j]], rows1_v.at[pl.ds(j * CHUNK, CHUNK)],
                sem1)
            return carry

        lax.fori_loop(0, NCH, fire, 0)
        pltpu.make_async_copy(t2_hbm.at[pl.ds(0, PER_W)], rows2_v, sem2).wait()
        pltpu.make_async_copy(t1_hbm.at[pl.ds(0, PER_W)], rows1_v, sem1).wait()
        pltpu.sync_copy(rows2_v, out2_hbm.at[pl.ds(base, PER_W)])
        pltpu.sync_copy(rows1_v, out1_hbm.at[pl.ds(base, PER_W)])

    return k(flat_idx, t2, t1)


def _mlp(g1, g2, xv, e_mat, w1f, w1s, c1, w2, b2, w3, b3):
    blk = 512
    d2 = FIELD * EMB

    def body(g1_ref, g2_ref, xv_ref, e_ref, w1f_ref, w1s_ref, c1_ref,
             w2_ref, b2_ref, w3_ref, b3_ref, out_ref):
        xv_b = xv_ref[...]
        ff = g1_ref[...] * xv_b
        xv16 = jnp.dot(xv_b, e_ref[...], preferred_element_type=jnp.float32)
        fs = g2_ref[...] * xv16
        h = jnp.tanh(
            jnp.dot(ff, w1f_ref[...], preferred_element_type=jnp.float32)
            + jnp.dot(fs, w1s_ref[...], preferred_element_type=jnp.float32)
            + c1_ref[...])
        h = jnp.tanh(
            jnp.dot(h, w2_ref[...], preferred_element_type=jnp.float32)
            + b2_ref[...])
        out_ref[...] = (
            jnp.dot(h, w3_ref[...], preferred_element_type=jnp.float32)
            + b3_ref[...])

    out = pl.pallas_call(
        body,
        grid=(B // blk,),
        in_specs=[
            pl.BlockSpec((blk, FIELD), lambda i: (i, 0)),
            pl.BlockSpec((blk, d2), lambda i: (i, 0)),
            pl.BlockSpec((blk, FIELD), lambda i: (i, 0)),
            pl.BlockSpec((FIELD, d2), lambda i: (0, 0)),
            pl.BlockSpec((FIELD, H), lambda i: (0, 0)),
            pl.BlockSpec((d2, H), lambda i: (0, 0)),
            pl.BlockSpec((1, H), lambda i: (0, 0)),
            pl.BlockSpec((H, H), lambda i: (0, 0)),
            pl.BlockSpec((1, H), lambda i: (0, 0)),
            pl.BlockSpec((H, 1), lambda i: (0, 0)),
            pl.BlockSpec((1, 1), lambda i: (0, 0)),
        ],
        out_specs=pl.BlockSpec((blk, 1), lambda i: (i, 0)),
        out_shape=jax.ShapeDtypeStruct((B, 1), jnp.float32),
    )(g1, g2, xv, e_mat, w1f, w1s, c1, w2, b2, w3, b3)
    return out[:, 0]


def kernel(Xi, Xv, fm_bias, first_tables, second_tables, W1, b1, W2, b2, W3, b3):
    idx = Xi[:, :, 0]
    offs = (jnp.arange(FIELD, dtype=jnp.int32) * VOCAB)[None, :]
    flat_idx = (idx + offs).reshape(NW, NCH, CHUNK)
    t2 = second_tables.reshape(FIELD * VOCAB, EMB)
    t1 = first_tables.reshape(FIELD * VOCAB)
    rows2, rows1 = _sc_gather(flat_idx, t2, t1)
    g2 = rows2.reshape(B, FIELD * EMB)
    g1 = rows1.reshape(B, FIELD)
    e_mat = jnp.asarray(_E_NP)
    c1 = (fm_bias[0] * W1[0] + b1)[None, :]
    return _mlp(g1, g2, Xv, e_mat, W1[1:1 + FIELD], W1[1 + FIELD:], c1,
                W2, b2[None, :], W3, b3[None, :])

# --- scband reference (transcript-rebuilt; emitter-appended) ---
"""Pipeline reference for scband-fnn-83339545411898 (READ-ONLY COPY).

The authoritative reference and input builder live on the scoring server;
editing this copy changes nothing except your own understanding.
"""

import jax, jax.numpy as jnp
import numpy as np

B = 4096
FIELD = 26
VOCAB = 100000
EMB = 16
D1 = 1 + FIELD + FIELD * EMB  # 443
H = 32
NCLASS = 1


def setup_inputs(seed: int = 0) -> dict:
    key = jax.random.key(seed)
    ks = jax.random.split(key, 12)
    Xi = jax.random.randint(ks[0], (B, FIELD, 1), 0, VOCAB, dtype=jnp.int32)
    Xv = jax.random.uniform(ks[1], (B, FIELD), dtype=jnp.float32)
    fm_bias = jax.random.normal(ks[2], (1,), dtype=jnp.float32)
    first_tables = jax.random.normal(ks[3], (FIELD, VOCAB, 1), dtype=jnp.float32) * 0.05
    second_tables = jax.random.normal(ks[4], (FIELD, VOCAB, EMB), dtype=jnp.float32) * 0.05
    W1 = jax.random.normal(ks[5], (D1, H), dtype=jnp.float32) * 0.05
    b1 = jax.random.normal(ks[6], (H,), dtype=jnp.float32) * 0.05
    W2 = jax.random.normal(ks[7], (H, H), dtype=jnp.float32) * 0.05
    b2 = jax.random.normal(ks[8], (H,), dtype=jnp.float32) * 0.05
    W3 = jax.random.normal(ks[9], (H, NCLASS), dtype=jnp.float32) * 0.05
    b3 = jax.random.normal(ks[10], (NCLASS,), dtype=jnp.float32) * 0.05
    return {"Xi": Xi, "Xv": Xv, "fm_bias": fm_bias, "first_tables": first_tables,
            "second_tables": second_tables, "W1": W1, "b1": b1, "W2": W2, "b2": b2,
            "W3": W3, "b3": b3}


def reference(Xi, Xv, fm_bias, first_tables, second_tables, W1, b1, W2, b2, W3, b3):
    # pretrain=False, use_fm=True path of FNN.forward
    idx = Xi[:, :, 0]  # [B, FIELD]
    field_ids = jnp.arange(FIELD)[None, :]  # [1, FIELD]
    # first-order embeddings: per-field table lookup (gather) scaled by Xv
    # emb(Xi[:, i, :]) -> [B,1,1]; sum over dim 1 -> [B,1]; (.t() * Xv[:,i]).t() -> [B,1]
    fm_first = first_tables[field_ids, idx]          # [B, FIELD, 1]
    fm_first = fm_first * Xv[:, :, None]             # scale by feature values
    fm_first_order = fm_first.reshape(Xi.shape[0], FIELD)  # cat over fields -> [B, FIELD]
    # second-order embeddings
    fm_second = second_tables[field_ids, idx]        # [B, FIELD, EMB]
    fm_second = fm_second * Xv[:, :, None]
    fm_second_order = fm_second.reshape(Xi.shape[0], FIELD * EMB)  # [B, FIELD*EMB]
    # bias column
    bias_col = fm_bias * jnp.ones((Xi.shape[0], 1), dtype=jnp.float32)
    deep_emb = jnp.concatenate([bias_col, fm_first_order, fm_second_order], axis=1)  # [B, 443]
    # deep layers with tanh activation (dropout disabled, no batch norm)
    x = jnp.tanh(deep_emb @ W1 + b1)
    x = jnp.tanh(x @ W2 + b2)
    x = x @ W3 + b3  # deep_last_layer, n_class=1
    return jnp.sum(x, axis=1)  # [B]

if __name__ == "__main__":
    import jax
    _d = setup_inputs()
    print(jax.jit(kernel)(*tuple(_d.values())))

</pallas_src>

<mosaic_0001>
#map = affine_map<(d0, d1) -> (0, 0, 0)>
#map1 = affine_map<(d0, d1) -> (0, 0)>
#map2 = affine_map<(d0, d1) -> (0)>
module attributes {stable_mosaic.version = 14 : i64} {
  func.func @k(%arg0: i32, %arg1: i32, %arg2: memref<32x26x128xi32, #tpu.memory_space<hbm>>, %arg3: memref<2600000x16xf32, #tpu.memory_space<hbm>>, %arg4: memref<2600000xf32, #tpu.memory_space<hbm>>, %arg5: memref<106496x16xf32, #tpu.memory_space<hbm>>, %arg6: memref<106496xf32, #tpu.memory_space<hbm>>, %arg7: memref<26x128xi32, #tpu.memory_space<vmem>>, %arg8: memref<3328x16xf32, #tpu.memory_space<vmem>>, %arg9: memref<3328xf32, #tpu.memory_space<vmem>>, %arg10: memref<!tpu.dma_semaphore, #tpu.memory_space<semaphore_mem>>, %arg11: memref<!tpu.dma_semaphore, #tpu.memory_space<semaphore_mem>>) attributes {dimension_semantics = [#tpu.dimension_semantics<core_parallel>, #tpu.dimension_semantics<subcore_parallel>], iteration_bounds = array<i64: 2, 16>, scalar_prefetch = 0 : i64, scratch_operands = 5 : i64, tpu.core_type = #tpu.core_type<sc_vector_subcore>, window_params = [{transform_indices = #map}, {transform_indices = #map1}, {transform_indices = #map2}, {transform_indices = #map1}, {transform_indices = #map2}]} {
    %mul3A = arith.constant 2 : i32
    %mul3A_0 = arith.muli %arg1, %mul3A : i32
    %add3A = arith.addi %mul3A_0, %arg0 : i32
    %mul3A_1 = arith.constant 3328 : i32
    %mul3A_2 = arith.muli %add3A, %mul3A_1 : i32
    "tpu.region"() ({
      %run_scoped3A = tpu.sem_alloc : memref<!tpu.dma_semaphore, #tpu.memory_space<semaphore_mem>>
      %dma_start3A = arith.constant 0 : i32
      %dma_start3A_17 = arith.constant 0 : i32
      %dma_start3A_18 = tpu.memref_slice %arg2[%add3A, %dma_start3A, %dma_start3A_17] : memref<32x26x128xi32, #tpu.memory_space<hbm>> -> memref<1x26x128xi32, #tpu.memory_space<hbm>>
      %dma_start3A_19 = tpu.memref_squeeze %dma_start3A_18 : memref<1x26x128xi32, #tpu.memory_space<hbm>> -> memref<26x128xi32, #tpu.memory_space<hbm>>
      %dma_start3A_20 = arith.constant 0 : i32
      %dma_start3A_21 = arith.constant 0 : i32
      %dma_start3A_22 = tpu.memref_slice %arg2[%add3A, %dma_start3A_20, %dma_start3A_21] : memref<32x26x128xi32, #tpu.memory_space<hbm>> -> memref<1x26x128xi32, #tpu.memory_space<hbm>>
      %dma_start3A_23 = tpu.memref_squeeze %dma_start3A_22 : memref<1x26x128xi32, #tpu.memory_space<hbm>> -> memref<26x128xi32, #tpu.memory_space<hbm>>
      tpu.enqueue_dma source(%dma_start3A_23 : memref<26x128xi32, #tpu.memory_space<hbm>>) target(%arg7 : memref<26x128xi32, #tpu.memory_space<vmem>>) target_semaphore(%run_scoped3A : memref<!tpu.dma_semaphore, #tpu.memory_space<semaphore_mem>>)
      %dma_wait3A_24 = arith.constant 0 : i32
      %dma_wait3A_25 = arith.constant 0 : i32
      %dma_wait3A_26 = tpu.memref_slice %arg2[%add3A, %dma_wait3A_24, %dma_wait3A_25] : memref<32x26x128xi32, #tpu.memory_space<hbm>> -> memref<1x26x128xi32, #tpu.memory_space<hbm>>
      %dma_wait3A_27 = tpu.memref_squeeze %dma_wait3A_26 : memref<1x26x128xi32, #tpu.memory_space<hbm>> -> memref<26x128xi32, #tpu.memory_space<hbm>>
      %dma_wait3A_28 = arith.constant 0 : i32
      %dma_wait3A_29 = arith.constant 0 : i32
      %dma_wait3A_30 = tpu.memref_slice %arg2[%add3A, %dma_wait3A_28, %dma_wait3A_29] : memref<32x26x128xi32, #tpu.memory_space<hbm>> -> memref<1x26x128xi32, #tpu.memory_space<hbm>>
      %dma_wait3A_31 = tpu.memref_squeeze %dma_wait3A_30 : memref<1x26x128xi32, #tpu.memory_space<hbm>> -> memref<26x128xi32, #tpu.memory_space<hbm>>
      tpu.wait_dma2 semaphore(%run_scoped3A : memref<!tpu.dma_semaphore, #tpu.memory_space<semaphore_mem>>) src(%dma_wait3A_31 : memref<26x128xi32, #tpu.memory_space<hbm>>) dst(%arg7 : memref<26x128xi32, #tpu.memory_space<vmem>>)
      tpu.yield
    }) : () -> ()
    %scan3A = arith.constant 0 : i32
    %scan3A_3 = arith.constant 0 : i32
    %scan3A_4 = arith.constant 26 : i32
    %scan3A_5 = arith.addi %scan3A_3, %scan3A_4 : i32
    %scan3A_6 = arith.constant 1 : i32
    scf.for %scan3A_17 = %scan3A_3 to %scan3A_5 step %scan3A_6  : i32 {
      %mul3A_18 = arith.constant 128 : i32
      %mul3A_19 = arith.muli %scan3A_17, %mul3A_18 : i32
      %dma_start3A = arith.constant 0 : i32
      %dma_start3A_20 = tpu.memref_slice %arg8[%mul3A_19, %dma_start3A] : memref<3328x16xf32, #tpu.memory_space<vmem>> -> memref<128x16xf32, #tpu.memory_space<vmem>>
      %dma_start3A_21 = arith.constant 0 : i32
      %dma_start3A_22 = tpu.memref_slice %arg7[%scan3A_17, %dma_start3A_21] : memref<26x128xi32, #tpu.memory_space<vmem>> -> memref<1x128xi32, #tpu.memory_space<vmem>>
      %dma_start3A_23 = tpu.memref_squeeze %dma_start3A_22 : memref<1x128xi32, #tpu.memory_space<vmem>> -> memref<128xi32, #tpu.memory_space<vmem>>
      %dma_start3A_24 = arith.constant 0 : i32
      %dma_start3A_25 = arith.constant 0 : i32
      %dma_start3A_26 = tpu.memref_slice %arg3[%dma_start3A_24, %dma_start3A_25] : memref<2600000x16xf32, #tpu.memory_space<hbm>> -> memref<2600000x16xf32, #tpu.memory_space<hbm>>
      tpu.enqueue_indirect_dma source(%dma_start3A_26 : memref<2600000x16xf32, #tpu.memory_space<hbm>>) target(%dma_start3A_20 : memref<128x16xf32, #tpu.memory_space<vmem>>) offsets(%dma_start3A_23 : memref<128xi32, #tpu.memory_space<vmem>>) semaphore(%arg10 : memref<!tpu.dma_semaphore, #tpu.memory_space<semaphore_mem>>)
      %mul3A_27 = arith.constant 128 : i32
      %mul3A_28 = arith.muli %scan3A_17, %mul3A_27 : i32
      %dma_start3A_29 = tpu.memref_slice %arg9[%mul3A_28] : memref<3328xf32, #tpu.memory_space<vmem>> -> memref<128xf32, #tpu.memory_space<vmem>>
      %dma_start3A_30 = arith.constant 0 : i32
      %dma_start3A_31 = tpu.memref_slice %arg7[%scan3A_17, %dma_start3A_30] : memref<26x128xi32, #tpu.memory_space<vmem>> -> memref<1x128xi32, #tpu.memory_space<vmem>>
      %dma_start3A_32 = tpu.memref_squeeze %dma_start3A_31 : memref<1x128xi32, #tpu.memory_space<vmem>> -> memref<128xi32, #tpu.memory_space<vmem>>
      %dma_start3A_33 = arith.constant 0 : i32
      %dma_start3A_34 = tpu.memref_slice %arg4[%dma_start3A_33] : memref<2600000xf32, #tpu.memory_space<hbm>> -> memref<2600000xf32, #tpu.memory_space<hbm>>
      tpu.enqueue_indirect_dma source(%dma_start3A_34 : memref<2600000xf32, #tpu.memory_space<hbm>>) target(%dma_start3A_29 : memref<128xf32, #tpu.memory_space<vmem>>) offsets(%dma_start3A_32 : memref<128xi32, #tpu.memory_space<vmem>>) semaphore(%arg11 : memref<!tpu.dma_semaphore, #tpu.memory_space<semaphore_mem>>)
    }
    %scan3A_7 = arith.constant 26 : i32
    %dma_wait3A = arith.constant 0 : i32
    %dma_wait3A_8 = arith.constant 0 : i32
    %dma_wait3A_9 = tpu.memref_slice %arg3[%dma_wait3A, %dma_wait3A_8] : memref<2600000x16xf32, #tpu.memory_space<hbm>> -> memref<3328x16xf32, #tpu.memory_space<hbm>>
    %dma_wait3A_10 = arith.constant 0 : i32
    %dma_wait3A_11 = arith.constant 0 : i32
    %dma_wait3A_12 = tpu.memref_slice %arg3[%dma_wait3A_10, %dma_wait3A_11] : memref<2600000x16xf32, #tpu.memory_space<hbm>> -> memref<3328x16xf32, #tpu.memory_space<hbm>>
    tpu.wait_dma2 semaphore(%arg10 : memref<!tpu.dma_semaphore, #tpu.memory_space<semaphore_mem>>) src(%dma_wait3A_12 : memref<3328x16xf32, #tpu.memory_space<hbm>>) dst(%arg8 : memref<3328x16xf32, #tpu.memory_space<vmem>>)
    %dma_wait3A_13 = arith.constant 0 : i32
    %dma_wait3A_14 = tpu.memref_slice %arg4[%dma_wait3A_13] : memref<2600000xf32, #tpu.memory_space<hbm>> -> memref<3328xf32, #tpu.memory_space<hbm>>
    %dma_wait3A_15 = arith.constant 0 : i32
    %dma_wait3A_16 = tpu.memref_slice %arg4[%dma_wait3A_15] : memref<2600000xf32, #tpu.memory_space<hbm>> -> memref<3328xf32, #tpu.memory_space<hbm>>
    tpu.wait_dma2 semaphore(%arg11 : memref<!tpu.dma_semaphore, #tpu.memory_space<semaphore_mem>>) src(%dma_wait3A_16 : memref<3328xf32, #tpu.memory_space<hbm>>) dst(%arg9 : memref<3328xf32, #tpu.memory_space<vmem>>)
    "tpu.region"() ({
      %run_scoped3A = tpu.sem_alloc : memref<!tpu.dma_semaphore, #tpu.memory_space<semaphore_mem>>
      %dma_start3A = arith.constant 0 : i32
      %dma_start3A_17 = tpu.memref_slice %arg5[%mul3A_2, %dma_start3A] : memref<106496x16xf32, #tpu.memory_space<hbm>> -> memref<3328x16xf32, #tpu.memory_space<hbm>>
      %dma_start3A_18 = arith.constant 0 : i32
      %dma_start3A_19 = tpu.memref_slice %arg5[%mul3A_2, %dma_start3A_18] : memref<106496x16xf32, #tpu.memory_space<hbm>> -> memref<3328x16xf32, #tpu.memory_space<hbm>>
      tpu.enqueue_dma source(%arg8 : memref<3328x16xf32, #tpu.memory_space<vmem>>) target(%dma_start3A_19 : memref<3328x16xf32, #tpu.memory_space<hbm>>) target_semaphore(%run_scoped3A : memref<!tpu.dma_semaphore, #tpu.memory_space<semaphore_mem>>)
      %dma_wait3A_20 = arith.constant 0 : i32
      %dma_wait3A_21 = tpu.memref_slice %arg5[%mul3A_2, %dma_wait3A_20] : memref<106496x16xf32, #tpu.memory_space<hbm>> -> memref<3328x16xf32, #tpu.memory_space<hbm>>
      %dma_wait3A_22 = arith.constant 0 : i32
      %dma_wait3A_23 = tpu.memref_slice %arg5[%mul3A_2, %dma_wait3A_22] : memref<106496x16xf32, #tpu.memory_space<hbm>> -> memref<3328x16xf32, #tpu.memory_space<hbm>>
      tpu.wait_dma2 semaphore(%run_scoped3A : memref<!tpu.dma_semaphore, #tpu.memory_space<semaphore_mem>>) src(%arg8 : memref<3328x16xf32, #tpu.memory_space<vmem>>) dst(%dma_wait3A_23 : memref<3328x16xf32, #tpu.memory_space<hbm>>)
      tpu.yield
    }) : () -> ()
    "tpu.region"() ({
      %run_scoped3A = tpu.sem_alloc : memref<!tpu.dma_semaphore, #tpu.memory_space<semaphore_mem>>
      %dma_start3A = tpu.memref_slice %arg6[%mul3A_2] : memref<106496xf32, #tpu.memory_space<hbm>> -> memref<3328xf32, #tpu.memory_space<hbm>>
      %dma_start3A_17 = tpu.memref_slice %arg6[%mul3A_2] : memref<106496xf32, #tpu.memory_space<hbm>> -> memref<3328xf32, #tpu.memory_space<hbm>>
      tpu.enqueue_dma source(%arg9 : memref<3328xf32, #tpu.memory_space<vmem>>) target(%dma_start3A_17 : memref<3328xf32, #tpu.memory_space<hbm>>) target_semaphore(%run_scoped3A : memref<!tpu.dma_semaphore, #tpu.memory_space<semaphore_mem>>)
      %dma_wait3A_18 = tpu.memref_slice %arg6[%mul3A_2] : memref<106496xf32, #tpu.memory_space<hbm>> -> memref<3328xf32, #tpu.memory_space<hbm>>
      %dma_wait3A_19 = tpu.memref_slice %arg6[%mul3A_2] : memref<106496xf32, #tpu.memory_space<hbm>> -> memref<3328xf32, #tpu.memory_space<hbm>>
      tpu.wait_dma2 semaphore(%run_scoped3A : memref<!tpu.dma_semaphore, #tpu.memory_space<semaphore_mem>>) src(%arg9 : memref<3328xf32, #tpu.memory_space<vmem>>) dst(%dma_wait3A_19 : memref<3328xf32, #tpu.memory_space<hbm>>)
      tpu.yield
    }) : () -> ()
    return
  }
}

module attributes {stable_mosaic.version = 14 : i64} {
  func.func @body(%arg0: i32, %arg1: memref<512x26xf32, #tpu.memory_space<vmem>>, %arg2: memref<512x416xf32, #tpu.memory_space<vmem>>, %arg3: memref<512x26xf32, #tpu.memory_space<vmem>>, %arg4: memref<26x416xf32, #tpu.memory_space<vmem>>, %arg5: memref<26x32xf32, #tpu.memory_space<vmem>>, %arg6: memref<416x32xf32, #tpu.memory_space<vmem>>, %arg7: memref<1x32xf32, #tpu.memory_space<vmem>>, %arg8: memref<32x32xf32, #tpu.memory_space<vmem>>, %arg9: memref<1x32xf32, #tpu.memory_space<vmem>>, %arg10: memref<32x1xf32, #tpu.memory_space<vmem>>, %arg11: memref<1x1xf32, #tpu.memory_space<vmem>>, %arg12: memref<512x1xf32, #tpu.memory_space<vmem>>) attributes {dimension_semantics = [#tpu.dimension_semantics<arbitrary>], iteration_bounds = array<i64: 8>, scalar_prefetch = 0 : i64, scratch_operands = 0 : i64, tpu.core_type = #tpu.core_type<tc>, window_params = [{transform_indices = @transform_0, window_bounds = array<i64: 512, 26>}, {transform_indices = @transform_1, window_bounds = array<i64: 512, 416>}, {transform_indices = @transform_2, window_bounds = array<i64: 512, 26>}, {pipeline_mode = #tpu.pipeline_mode<synchronous>, transform_indices = @transform_3, window_bounds = array<i64: 26, 416>}, {pipeline_mode = #tpu.pipeline_mode<synchronous>, transform_indices = @transform_4, window_bounds = array<i64: 26, 32>}, {pipeline_mode = #tpu.pipeline_mode<synchronous>, transform_indices = @transform_5, window_bounds = array<i64: 416, 32>}, {pipeline_mode = #tpu.pipeline_mode<synchronous>, transform_indices = @transform_6, window_bounds = array<i64: 1, 32>}, {pipeline_mode = #tpu.pipeline_mode<synchronous>, transform_indices = @transform_7, window_bounds = array<i64: 32, 32>}, {pipeline_mode = #tpu.pipeline_mode<synchronous>, transform_indices = @transform_8, window_bounds = array<i64: 1, 32>}, {pipeline_mode = #tpu.pipeline_mode<synchronous>, transform_indices = @transform_9, window_bounds = array<i64: 32, 1>}, {pipeline_mode = #tpu.pipeline_mode<synchronous>, transform_indices = @transform_10, window_bounds = array<i64: 1, 1>}, {transform_indices = @transform_11, window_bounds = array<i64: 512, 1>}]} {
    %get3A = arith.constant 0 : index
    %get3A_0 = arith.constant 0 : index
    %get3A_1 = vector.load %arg3[%get3A, %get3A_0] : memref<512x26xf32, #tpu.memory_space<vmem>>, vector<512x26xf32>
    %get3A_2 = arith.constant 0 : index
    %get3A_3 = arith.constant 0 : index
    %get3A_4 = vector.load %arg1[%get3A_2, %get3A_3] : memref<512x26xf32, #tpu.memory_space<vmem>>, vector<512x26xf32>
    %mul3A = arith.mulf %get3A_4, %get3A_1 : vector<512x26xf32>
    %get3A_5 = arith.constant 0 : index
    %get3A_6 = arith.constant 0 : index
    %get3A_7 = vector.load %arg4[%get3A_5, %get3A_6] : memref<26x416xf32, #tpu.memory_space<vmem>>, vector<26x416xf32>
    %dot_general3A = arith.constant dense<0.000000e+00> : vector<512x416xf32>
    %dot_general3A_8 = tpu.matmul %get3A_1, %get3A_7, %dot_general3A {dimension_numbers = #tpu.dot_dimension_numbers<[1], [0], [0], [1], [0, 0, 1, 1], [], []>, transpose_lhs_hint = false} : vector<512x26xf32>, vector<26x416xf32>, vector<512x416xf32> -> vector<512x416xf32>
    %get3A_9 = arith.constant 0 : index
    %get3A_10 = arith.constant 0 : index
    %get3A_11 = vector.load %arg2[%get3A_9, %get3A_10] : memref<512x416xf32, #tpu.memory_space<vmem>>, vector<512x416xf32>
    %mul3A_12 = arith.mulf %get3A_11, %dot_general3A_8 : vector<512x416xf32>
    %get3A_13 = arith.constant 0 : index
    %get3A_14 = arith.constant 0 : index
    %get3A_15 = vector.load %arg5[%get3A_13, %get3A_14] : memref<26x32xf32, #tpu.memory_space<vmem>>, vector<26x32xf32>
    %dot_general3A_16 = arith.constant dense<0.000000e+00> : vector<512x32xf32>
    %dot_general3A_17 = tpu.matmul %mul3A, %get3A_15, %dot_general3A_16 {dimension_numbers = #tpu.dot_dimension_numbers<[1], [0], [0], [1], [0, 0, 1, 1], [], []>, transpose_lhs_hint = false} : vector<512x26xf32>, vector<26x32xf32>, vector<512x32xf32> -> vector<512x32xf32>
    %get3A_18 = arith.constant 0 : index
    %get3A_19 = arith.constant 0 : index
    %get3A_20 = vector.load %arg6[%get3A_18, %get3A_19] : memref<416x32xf32, #tpu.memory_space<vmem>>, vector<416x32xf32>
    %dot_general3A_21 = arith.constant dense<0.000000e+00> : vector<512x32xf32>
    %dot_general3A_22 = tpu.matmul %mul3A_12, %get3A_20, %dot_general3A_21 {dimension_numbers = #tpu.dot_dimension_numbers<[1], [0], [0], [1], [0, 0, 1, 1], [], []>, transpose_lhs_hint = false} : vector<512x416xf32>, vector<416x32xf32>, vector<512x32xf32> -> vector<512x32xf32>
    %add3A = arith.addf %dot_general3A_17, %dot_general3A_22 : vector<512x32xf32>
    %get3A_23 = arith.constant 0 : index
    %get3A_24 = arith.constant 0 : index
    %get3A_25 = vector.load %arg7[%get3A_23, %get3A_24] : memref<1x32xf32, #tpu.memory_space<vmem>>, vector<1x32xf32>
    %add3A_26 = vector.broadcast %get3A_25 : vector<1x32xf32> to vector<512x32xf32>
    %add3A_27 = arith.addf %add3A, %add3A_26 : vector<512x32xf32>
    %tanh3A = math.tanh %add3A_27 : vector<512x32xf32>
    %get3A_28 = arith.constant 0 : index
    %get3A_29 = arith.constant 0 : index
    %get3A_30 = vector.load %arg8[%get3A_28, %get3A_29] : memref<32x32xf32, #tpu.memory_space<vmem>>, vector<32x32xf32>
    %dot_general3A_31 = arith.constant dense<0.000000e+00> : vector<512x32xf32>
    %dot_general3A_32 = tpu.matmul %tanh3A, %get3A_30, %dot_general3A_31 {dimension_numbers = #tpu.dot_dimension_numbers<[1], [0], [0], [1], [0, 0, 1, 1], [], []>, transpose_lhs_hint = false} : vector<512x32xf32>, vector<32x32xf32>, vector<512x32xf32> -> vector<512x32xf32>
    %get3A_33 = arith.constant 0 : index
    %get3A_34 = arith.constant 0 : index
    %get3A_35 = vector.load %arg9[%get3A_33, %get3A_34] : memref<1x32xf32, #tpu.memory_space<vmem>>, vector<1x32xf32>
    %add3A_36 = vector.broadcast %get3A_35 : vector<1x32xf32> to vector<512x32xf32>
    %add3A_37 = arith.addf %dot_general3A_32, %add3A_36 : vector<512x32xf32>
    %tanh3A_38 = math.tanh %add3A_37 : vector<512x32xf32>
    %get3A_39 = arith.constant 0 : index
    %get3A_40 = arith.constant 0 : index
    %get3A_41 = vector.load %arg10[%get3A_39, %get3A_40] : memref<32x1xf32, #tpu.memory_space<vmem>>, vector<32x1xf32>
    %dot_general3A_42 = arith.constant dense<0.000000e+00> : vector<512x1xf32>
    %dot_general3A_43 = tpu.matmul %tanh3A_38, %get3A_41, %dot_general3A_42 {dimension_numbers = #tpu.dot_dimension_numbers<[1], [0], [0], [1], [0, 0, 1, 1], [], []>, transpose_lhs_hint = false} : vector<512x32xf32>, vector<32x1xf32>, vector<512x1xf32> -> vector<512x1xf32>
    %get3A_44 = arith.constant 0 : index
    %get3A_45 = arith.constant 0 : index
    %get3A_46 = vector.load %arg11[%get3A_44, %get3A_45] : memref<1x1xf32, #tpu.memory_space<vmem>>, vector<1x1xf32>
    %add3A_47 = vector.broadcast %get3A_46 : vector<1x1xf32> to vector<512x1xf32>
    %add3A_48 = arith.addf %dot_general3A_43, %add3A_47 : vector<512x1xf32>
    %swap3A = arith.constant 0 : index
    %swap3A_49 = arith.constant 0 : index
    %swap3A_50 = vector.load %arg12[%swap3A, %swap3A_49] : memref<512x1xf32, #tpu.memory_space<vmem>>, vector<512x1xf32>
    tpu.vector_store %arg12[%swap3A, %swap3A_49], %add3A_48 {strides = array<i32>} : memref<512x1xf32, #tpu.memory_space<vmem>>, vector<512x1xf32>,
    return
  }
  func.func @transform_0(%arg0: i32) -> (i32, i32) {
    %c0_i32 = arith.constant 0 : i32
    %c0_i32_0 = arith.constant 0 : i32
    return %arg0, %c0_i32 : i32, i32
  }
  func.func @transform_1(%arg0: i32) -> (i32, i32) {
    %c0_i32 = arith.constant 0 : i32
    %c0_i32_0 = arith.constant 0 : i32
    return %arg0, %c0_i32 : i32, i32
  }
  func.func @transform_2(%arg0: i32) -> (i32, i32) {
    %c0_i32 = arith.constant 0 : i32
    %c0_i32_0 = arith.constant 0 : i32
    return %arg0, %c0_i32 : i32, i32
  }
  func.func @transform_3(%arg0: i32) -> (i32, i32) {
    %c0_i32 = arith.constant 0 : i32
    %c0_i32_0 = arith.constant 0 : i32
    %c0_i32_1 = arith.constant 0 : i32
    return %c0_i32, %c0_i32_0 : i32, i32
  }
  func.func @transform_4(%arg0: i32) -> (i32, i32) {
    %c0_i32 = arith.constant 0 : i32
    %c0_i32_0 = arith.constant 0 : i32
    %c0_i32_1 = arith.constant 0 : i32
    return %c0_i32, %c0_i32_0 : i32, i32
  }
  func.func @transform_5(%arg0: i32) -> (i32, i32) {
    %c0_i32 = arith.constant 0 : i32
    %c0_i32_0 = arith.constant 0 : i32
    %c0_i32_1 = arith.constant 0 : i32
    return %c0_i32, %c0_i32_0 : i32, i32
  }
  func.func @transform_6(%arg0: i32) -> (i32, i32) {
    %c0_i32 = arith.constant 0 : i32
    %c0_i32_0 = arith.constant 0 : i32
    %c0_i32_1 = arith.constant 0 : i32
    return %c0_i32, %c0_i32_0 : i32, i32
  }
  func.func @transform_7(%arg0: i32) -> (i32, i32) {
    %c0_i32 = arith.constant 0 : i32
    %c0_i32_0 = arith.constant 0 : i32
    %c0_i32_1 = arith.constant 0 : i32
    return %c0_i32, %c0_i32_0 : i32, i32
  }
  func.func @transform_8(%arg0: i32) -> (i32, i32) {
    %c0_i32 = arith.constant 0 : i32
    %c0_i32_0 = arith.constant 0 : i32
    %c0_i32_1 = arith.constant 0 : i32
    return %c0_i32, %c0_i32_0 : i32, i32
  }
  func.func @transform_9(%arg0: i32) -> (i32, i32) {
    %c0_i32 = arith.constant 0 : i32
    %c0_i32_0 = arith.constant 0 : i32
    %c0_i32_1 = arith.constant 0 : i32
    return %c0_i32, %c0_i32_0 : i32, i32
  }
  func.func @transform_10(%arg0: i32) -> (i32, i32) {
    %c0_i32 = arith.constant 0 : i32
    %c0_i32_0 = arith.constant 0 : i32
    %c0_i32_1 = arith.constant 0 : i32
    return %c0_i32, %c0_i32_0 : i32, i32
  }
  func.func @transform_11(%arg0: i32) -> (i32, i32) {
    %c0_i32 = arith.constant 0 : i32
    %c0_i32_0 = arith.constant 0 : i32
    return %arg0, %c0_i32 : i32, i32
  }
}

</mosaic_0001>

<sc_bundles>
// kernel: kernel.4.cloned.1.call-start
scs
__scs_entry_jumppad:
0x0: {  	(pc) =	sbr.rel $0x88, $3  }
0x1: {  	(tag) =	ssettag $0x0;
	lr =	simm.s32 $0x1  }
0x2: {  	[smem:$0x3F96] =	sst lr;
	_ =	strace $0xD0000000  }
0x3: {  	_ = 	snop  }
0x4: {  	_ = 	snop  }
0x5: {  	_ = 	snop  }
0x6: {  	_ = 	snop  }
0x7: {  	_ = 	snop  }
__scs_overlays_trampoline_lowered:
0x8: {  	[smem:$0x3FA5] =	sst s0  }
0x9: {  	[smem:$0x3FA6] =	sst s1  }
0xa: {  	[smem:$0x3FA7] =	sst s2  }
0xb: {  	[smem:$0x3FA8] =	sst s3  }
0xc: {  	[smem:$0x3FA9] =	sst s4  }
0xd: {  	[smem:$0x3FAA] =	sst s5  }
0xe: {  	[smem:$0x3FAB] =	sst s6  }
0xf: {  	[smem:$0x3FAC] =	sst s7  }
0x10: {  	[smem:$0x3FAD] =	sst s8  }
0x11: {  	[smem:$0x3FAE] =	sst s9;
	s0 =	simm.s32 @!p0 $0x0  }
0x12: {  	s1 =	sld [smem:$0x3F94];
	s0 =	simm.s32 @p0 $0x1  }
0x13: {  	[smem:$0x3FAF] =	sst s0;
	s0 =	simm.s32 @!p1 $0x0  }
0x14: {  	s2 =	sld [smem:$0x3F93];
	s0 =	simm.s32 @p1 $0x1  }
0x15: {  	[smem:$0x3FB0] =	sst s0;
	s0 =	simm.s32 @!p2 $0x0  }
0x16: {  	s3 =	sld [smem:$0x3FDB];
	s0 =	simm.s32 @p2 $0x1  }
0x17: {  	s4 =	simm.s32 $0x1BF5;
	[smem:$0x3FB2] =	sst s0  }
0x18: {  	s0 =	sld [smem:$0x3F95];
	_ =	swait.ge [sflag:s4], $0x0  }
0x19: {  	s7 =	sld [smem:$0x3F96]  }
0x1a: {  	s8 =	sadd.s32 $0xFFFFE003, lr  }
0x1b: {  	s9 =	sadd.s32 $0xFFFFFEF7, lr;
	s5 =	simm.s32 $0xFFFFFFFF;
	p2 =	slt.u32 s8, $0xFFFFF086  }
0x1c: {  	p1 =	slt.u32 s9, $0xF7A;
	s5 =	simm.s32 @!p2 $0x0  }
0x1d: {  	s5 =	simm.s32 @p1 $0x1;
	p0 =	seq.s32 s7, s2  }
0x1e: {  	s7 =	smul.u32 @!p0 $0xF7A, s2;
	p2 =	seq.s32 @!p0 s5, $0x0  }
0x1f: {  	s9 =	smul.u32 $0xF7A, s1;
	s8 =	simm.s32 @!p0 $0x1BF5;
	p2 =	por !p2, p0  }
0x20: {  	[sflag:s8] =	ssyncset.s32 @!p0 $0xFFFFF086;
	s6 =	sadd.s32 @!p0 s3, s7;
	s7 =	simm.s32 @!p0 $0x108  }
0x21: {  	s3 =	sadd.s32 s3, s9;
	s6 =	sadd.s32 @!p0 $0x88, s6;
	s7 =	simm.s32 @p2 $0x1082  }
0x22: {  	[simem:s7], [sflag:s8] =	dma.local @!p0 [hbm:s6], $0xF7A  }
0x23: {  	s9 =	sor.u32 $0xD0000000, s2;
	s6 =	simm.s32 $0x108;
	_ =	swait.ge @!p0 [sflag:s8], $0x0  }
0x24: {  	s3 =	sadd.s32 $0x88, s3;
	s6 =	simm.s32 @!p1 $0x1082;
	[sflag:s4] =	ssyncset.s32 $0xFFFFF086  }
0x25: {  	[simem:s6], [sflag:s4] =	dma.local [hbm:s3], $0xF7A  }
0x26: {  	[smem:$0x3F96] =	sst s1;
	(tag) =	ssettag s2;
	_ =	strace s9  }
0x27: {  	s1 =	sld [smem:$0x3FA6]  }
0x28: {  	s2 =	sld [smem:$0x3FA7]  }
0x29: {  	s4 =	sld [smem:$0x3FA9]  }
0x2a: {  	p0 =	seq.s32 s5, $0x0;
	s5 =	sld [smem:$0x3FAA]  }
0x2b: {  	s6 =	sld [smem:$0x3FAB]  }
0x2c: {  	s7 =	sld [smem:$0x3FAC]  }
0x2d: {  	s3 =	simm.s32 $0x108;
	s8 =	sld [smem:$0x3FAD]  }
0x2e: {  	s3 =	simm.s32 @!p0 $0x1082;
	s9 =	sld [smem:$0x3FAE]  }
0x2f: {  	lr =	sadd.s32 s0, s3;
	s0 =	sld [smem:$0x3FA5]  }
0x30: {  	s3 =	sld [smem:$0x3FA8]  }
0x31: {  	[smem:$0x3FB1] =	sst s10  }
0x32: {  	s10 =	sld [smem:$0x3FAF];
	_ =	sdelay $0x3  }
0x33: {  	p0 =	seq.s32 s10, $0x1;
	s10 =	sld [smem:$0x3FB1];
	_ =	sdelay $0x3  }
0x34: {  	[smem:$0x3FB1] =	sst s10  }
0x35: {  	s10 =	sld [smem:$0x3FB0];
	_ =	sdelay $0x3  }
0x36: {  	p1 =	seq.s32 s10, $0x1;
	s10 =	sld [smem:$0x3FB1];
	_ =	sdelay $0x3  }
0x37: {  	[smem:$0x3FB1] =	sst s10  }
0x38: {  	s10 =	sld [smem:$0x3FB2]  }
0x39: {  	_ = 	snop;
	(pc) =	sbr.ind lr, $3  }
0x3a: {  	_ = 	snop  }
0x3b: {  	_ = 	snop  }
0x3c: {  	p2 =	seq.s32 s10, $0x1;
	s10 =	sld [smem:$0x3FB1]  }
0x3d: {  	_ =	shalt  }
0x3e: {  	_ =	shalt  }
0x3f: {  	_ =	shalt  }
0x40: {  	_ =	shalt  }
0x41: {  	_ =	shalt  }
0x42: {  	_ =	shalt  }
0x43: {  	_ =	shalt  }
0x44: {  	_ =	shalt  }
0x45: {  	_ =	shalt  }
0x46: {  	_ =	shalt  }
0x47: {  	_ =	shalt  }
0x48: {  	_ =	shalt  }
0x49: {  	_ =	shalt  }
0x4a: {  	_ =	shalt  }
0x4b: {  	_ =	shalt  }
0x4c: {  	_ =	shalt  }
0x4d: {  	_ =	shalt  }
0x4e: {  	_ =	shalt  }
0x4f: {  	_ =	shalt  }
0x50: {  	_ =	shalt  }
0x51: {  	_ =	shalt  }
0x52: {  	_ =	shalt  }
0x53: {  	_ =	shalt  }
0x54: {  	_ =	shalt  }
0x55: {  	_ =	shalt  }
0x56: {  	_ =	shalt  }
0x57: {  	_ =	shalt  }
0x58: {  	_ =	shalt  }
0x59: {  	_ =	shalt  }
0x5a: {  	_ =	shalt  }
0x5b: {  	_ =	shalt  }
0x5c: {  	_ =	shalt  }
0x5d: {  	_ =	shalt  }
0x5e: {  	_ =	shalt  }
0x5f: {  	_ =	shalt  }
0x60: {  	_ =	shalt  }
0x61: {  	_ =	shalt  }
0x62: {  	_ =	shalt  }
0x63: {  	_ =	shalt  }
0x64: {  	_ =	shalt  }
0x65: {  	_ =	shalt  }
0x66: {  	_ =	shalt  }
0x67: {  	_ =	shalt  }
0x68: {  	_ =	shalt  }
0x69: {  	_ =	shalt  }
0x6a: {  	_ =	shalt  }
0x6b: {  	_ =	shalt  }
0x6c: {  	_ =	shalt  }
0x6d: {  	_ =	shalt  }
0x6e: {  	_ =	shalt  }
0x6f: {  	_ =	shalt  }
0x70: {  	_ =	shalt  }
0x71: {  	_ =	shalt  }
0x72: {  	_ =	shalt  }
0x73: {  	_ =	shalt  }
0x74: {  	_ =	shalt  }
0x75: {  	_ =	shalt  }
0x76: {  	_ =	shalt  }
0x77: {  	_ =	shalt  }
0x78: {  	_ =	shalt  }
0x79: {  	_ =	shalt  }
0x7a: {  	_ =	shalt  }
0x7b: {  	_ =	shalt  }
0x7c: {  	_ =	shalt  }
0x7d: {  	_ =	shalt  }
0x7e: {  	_ =	shalt  }
0x7f: {  	_ =	shalt  }
0x80: {  	_ =	shalt  }
0x81: {  	_ =	shalt  }
0x82: {  	_ =	shalt  }
0x83: {  	_ =	shalt  }
0x84: {  	_ =	shalt  }
0x85: {  	_ =	shalt  }
0x86: {  	_ =	shalt  }
0x87: {  	_ =	shalt  }
.Lfunc_end0:
.L_simem_size_0:
called_computation_lowered:
.L_overlay_start_0:
0x88: {  	s2 =	sld [smem:$0x3FD9]  }
0x89: {  	s3 =	sld [smem:$0x3FFE];
	_ =	sdelay $0x1  }
0x8a: {  	s1 =	srdreg.scid  }
0x8b: {  	s0 =	sand.u32 $0x1, s1  }
0x8c: {  	s16 =	sshll.u32 s0, $0xA;
	s2 =	sadd.s32 s3, s2  }
0x8d: {  	s2 =	sadd.s32 s2, s16  }
0x8e: {  	[smem:$0x3FBD] =	sst s2  }
0x8f: {  	_ = 	snop  }
0x90: {  	(tm) =	ssettm $0x1  }
0x91: {  	s17 =	sld [smem:$0x3FFB];
	_ =	sdelay $0x3  }
0x92: {  	_ =	strace s17  }
0x93: {  	s2 =	sld [smem:$0x3FFC];
	_ =	sdelay $0x3  }
0x94: {  	_ =	strace s2  }
0x95: {  	s2 =	sld [smem:$0x3FFD];
	_ =	sdelay $0x3  }
0x96: {  	_ =	strace s2  }
0x97: {  	_ =	strace $0x8FFFFFFF  }
0x98: {  	s18 =	sld [smem:$0x3FDB];
	_ =	sdelay $0x1  }
0x99: {  	s19 =	simm.s32 $_scs_section_size  }
0x9a: {  	s4 =	simm.s32 $_size__tile_overlayer_lowered;
	s5 =	simm.s32 $_tile_overlayer_lowered  }
0x9b: {  	s22 =	simm.s32 $0x1BFF;
	s21 =	sshll.u32 s5, $0x1;
	s2 =	sadd.s32 s19, s18  }
0x9c: {  	s6 =	simm.s32 $0x0;
	s20 =	sshll.u32 s4, $0x1;
	s4 =	sadd.s32 s21, s2  }
0x9d: {  	[timem:s6], [sflag:s22] =	dma.local [hbm:s4], s20  }
0x9e: {  	_ =	swait.ge [sflag:s22], s20  }
0x9f: {  	s3 =	ssub.s32 $0x0, s20;
	[sflag:s22] =	ssyncset.done $0x0  }
0xa0: {  	[sflag:s22] =	ssyncadd.s32 s3;
	_ =	sdelay $0x1  }
0xa1: {  	s23 =	simm.s32 $0x1B8B  }
0xa2: {  	_ =	swait.ge [sflag:s23], $0x1  }
0xa3: {  	[sflag:s23] =	ssyncset.done $0x0  }
0xa4: {  	s25 =	simm.s32 $0x1B8E;
	s24 =	sld [smem:$0x3FFE];
	[sflag:s23] =	ssyncadd.s32 $0xFFFFFFFF  }
0xa5: {  	s26 =	simm.s32 $execute0_lowered;
	[smem:$0x3FD2] =	sst s25  }
0xa6: {  	s4 =	sshll.u32 s26, $0x1;
	_ =	strace $0x80000046;
	[dreg:$0x1] =	wrdreg $0xFFFFFFFF  }
0xa7: {  	s28 =	simm.s32 $_size_execute0_lowered;
	s2 =	sadd.s32 s2, s4;
	[dreg:$0x0] =	wrdreg $0x0  }
0xa8: {  	s4 =	sshll.u32 s28, $0x1;
	[dreg:$0x2] =	wrdreg s2  }
0xa9: {  	[dreg:$0x3] =	wrdreg s4  }
0xaa: {  	[dreg:$0x4] =	wrdreg $0xC0  }
0xab: {  	_ =	task [dreg:s6], $0x5FFFF  }
0xac: {  	[dreg:$0x1] =	wrdreg $0xFFFFFFFF  }
0xad: {  	[dreg:$0x0] =	wrdreg $0x60  }
0xae: {  	[dreg:$0x2] =	wrdreg s24  }
0xaf: {  	[dreg:$0x3] =	wrdreg $0x9  }
0xb0: {  	_ =	task.clear_ibuf [dreg:s6], $0x4FFFF;
	_ =	strace $0x90000046  }
0xb1: {  	s29 =	simm.s32 $0x9;
	_ =	strace $0x80000048  }
0xb2: {  	_ =	swait.ge [sflag:s29], $0x1  }
0xb3: {  	[sflag:s29] =	ssyncadd.s32 $0xFFFFFFFF  }
0xb4: {  	_ =	strace $0x90000048  }
0xb5: {  	_ =	sfence  }
0xb6: {  	s30 =	sld [smem:$0x0];
	_ =	sdelay $0x2  }
0xb7: {  	s31 =	sshll.u32 s1, $0xD;
	s1 =	sshrl.u32 s1, $0x2  }
0xb8: {  	s3 =	sand.u32 $0x4000, s31;
	s1 =	sadd.s32 s1, s30  }
0xb9: {  	s0 =	sor.u32 s3, s0;
	s1 =	sshll.u32 s1, $0x11  }
0xba: {  	s0 =	sor.u32 s1, s0  }
0xbb: {  	s0 =	sadd.s32 $0x8F2B, s0  }
0xbc: {  	[sflag:s0] =	ssyncadd.remote.s32 $0x1  }
0xbd: {  	_ =	sfence.sel $0xFFFF  }
0xbe: {  	[dreg:$0x0] =	wrdreg $0xFFFFFFFF;
	(pc) =	sbr.abs _section_cstart, $3  }
0xbf: {  	[dreg:$0x1] =	wrdreg $0xFFFFFFFF  }
0xc0: {  	_ =	task.clear_ibuf [dreg:s6], $0x2FFFF;
	_ =	strace $0x9FFFFFFF  }
0xc1: {  	(tm) =	ssettm $0x7FFFFFFF  }
tec
execute0_lowered:
.L_overlay_start_1:
0x0: {  	(tag) =	ssettag $0x1  }
0x1: {  	s1 =	srdreg.scid  }
0x2: {  	s0 =	stileid.u32;
	s5 =	rddreg [dreg:$0x0]  }
0x3: {  	s2 =	simm.s32 $0x0;
	s10 =	simm.s32 $0x80;
	s11 =	simm.s32 $0x1  }
0x4: {  	s12 =	simm.s32 $0x2;
	s6 =	sand.u32 $0x1, s1;
	s3 =	sshll.u32 s0, $0x1  }
0x5: {  	s13 =	simm.s32 $0xD00;
	s14 =	simm.s32 $0xDD00;
	s3 =	sor.u32 s6, s3  }
0x6: {  	s15 =	simm.s32 $0x0;
	s1 =	rddreg [dreg:$0x1];
	s7 =	smul.u32 $0x1A00, s3  }
0x7: {  	[smem:$0x7FF] =	sst s2;
	s4 =	sadd.s32 $0xE00, s5;
	s8 =	smul.u32 $0x1A0, s3  }
0x8: {  	_ =	strace $0x80000047;
	s6 =	ssub.s32 $0x2, s6;
	s3 =	sadd.s32 $0x27AD200, s5  }
0x9: {  	s31 =	sshrl.u32 s6, $0x1;
	s7 =	sadd.s32 s7, s5;
	s8 =	sadd.s32 s8, s5  }
0xa: {  	s9 =	ssub.s32 s6, s31;
	s5 =	sadd.s32 $0x50400, s8;
	s6 =	sadd.s32 $0x53800, s7  }
0xb: {  	s7 =	sadd.s32 $0x87800, s8;
	s8 =	smax.u32 s9, $0x1;
	s9 =	simm.s32 $0x3  }
.LBB2_1:
0xc: {  	[tilespmem:s2], [sflag:$0x3] =	stream.linear.gather [hbm4b:s5+s2], $0xD00, $0x38;
	[tilespmem:$0xEA00] =	vst v63  }
0xd: {  	_ =	swait.ge [sflag:s9], $0xD00  }
0xe: {  	s18 =	simm.s32 $0x0;
	s16 =	simm.s32 $0x200;
	[sflag:s9] =	ssyncset.done $0x0  }
0xf: {  	s19 =	simm.s32 $0xDD00;
	s17 =	simm.s32 $0x1500;
	[sflag:s9] =	ssyncadd.s32 $0xFFFFF300  }
0x10: {  	[tilespmem:s13], [sflag:$0x1] =	stream.indirect.gather [hbm4b:s3+s10], $0x10, s18, s10, $0xb8;
	[tilespmem:$0xEA00] =	vst v63  }
.LBB2_2:
0x11: {  	[tilespmem:s19], [sflag:$0x2] =	stream.indirect.gather [hbm4b:s4+s10], $0x1, s18, s10, $0xb8;
	[tilespmem:$0xEA00] =	vst v63  }
0x12: {  	s18 =	smov.u32 s16;
	p0 =	sne.s32 s16, $0x3200  }
.Ltmp0:
0x13: {  	s16 =	sadd.s32 $0x200, s16;
	(pc) =	sbr.rel @p0 .LBB2_2-.Ltmp0, $4  }
0x14: {  	_ = 	snop  }
0x15: {  	s18 =	sshra.s32 s18, $0x2  }
0x16: {  	[tilespmem:s17], [sflag:$0x1] =	stream.indirect.gather [hbm4b:s3+s10], $0x10, s18, s10, $0xb8;
	[tilespmem:$0xEA00] =	vst v63  }
0x17: {  	s19 =	sadd.s32 $0xDD00, s18;
	s17 =	sadd.s32 $0x800, s17  }
0x18: {  	[tilespmem:s19], [sflag:$0x2] =	stream.indirect.gather [hbm4b:s4+s10], $0x1, s18, s10, $0xb8;
	[tilespmem:$0xEA00] =	vst v63  }
0x19: {  	_ =	swait.ge [sflag:s11], $0xD000  }
0x1a: {  	[sflag:s11] =	ssyncset.done $0x0  }
0x1b: {  	[sflag:s11] =	ssyncadd.s32 $0xFFFF3000  }
0x1c: {  	_ =	swait.ge [sflag:s12], $0xD00  }
0x1d: {  	[sflag:s12] =	ssyncset.done $0x0  }
0x1e: {  	[sflag:s12] =	ssyncadd.s32 $0xFFFFF300  }
0x1f: {  	[hbm4b:s6+s2] =	stream.linear.scatter [tilespmem:s13], [sflag:$0x3], $0xD000, $0x38;
	[tilespmem:$0xEA00] =	vst v63  }
0x20: {  	s15 =	sadd.s32 $0x1, s15;
	_ =	swait.ge [sflag:s9], $0xD000  }
0x21: {  	p0 =	sne.s32 s15, s8;
	[sflag:s9] =	ssyncset.done $0x0  }
.Ltmp1:
0x22: {  	[sflag:s9] =	ssyncadd.s32 $0xFFFF3000;
	(pc) =	sbr.rel @p0 .LBB2_1-.Ltmp1, $4  }
0x23: {  	[hbm4b:s7+s2] =	stream.linear.scatter [tilespmem:s14], [sflag:$0x3], $0xD00, $0x38;
	[tilespmem:$0xEA00] =	vst v63  }
0x24: {  	_ =	swait.ge [sflag:s9], $0xD00  }
0x25: {  	[sflag:s9] =	ssyncset.done $0x0  }
0x26: {  	[sflag:s9] =	ssyncadd.s32 $0xFFFFF300  }
0x27: {  	_ =	sfence.sel $0x180000  }
0x28: {  	[bflag:$0x0] =	sbarrier.arrive $0xFFFF  }
0x29: {  	p0 =	sne.s32 s0, $0x0;
	_ =	strace $0x90000047  }
0x2a: {  	s0 =	sadd.s32 @!p0 $0x100000, s1;
	[bflag:$0x2] =	sbarrier.arrive $0xFFFF  }
0x2b: {  	[sflag:s0] =	ssyncadd.tile.s32 @!p0 $0x1;
	_ =	shalt  }
.Lfunc_end2:
_tile_overlayer_lowered:
.L_overlay_start_2:
0x2c: {  	(tag) =	ssettag $0x2  }
0x2d: {  	s0 =	rddreg [dreg:$0x0];
	s2 =	stileid.u32  }
0x2e: {  	s1 =	rddreg [dreg:$0x1];
	p0 =	sne.s32 s2, $0x0  }
0x2f: {  	s3 =	rddreg [dreg:$0x2];
	[bflag:$0x3] =	sbarrier.arrive $0xFFFF;
	s2 =	simm.s32 @!p0 $0x1C03  }
0x30: {  	[timem:s3], [sflag:s2] =	dma.local @!p0 [hbm:s0], s1  }
0x31: {  	s0 =	simm.s32 @!p0 $0x3  }
0x32: {  	_ =	swait.ge @!p0 [sflag:s0], s1  }
0x33: {  	s1 =	ssub.s32 @!p0 $0x0, s1;
	[sflag:s0] =	ssyncset.done @!p0 $0x0  }
0x34: {  	[sflag:s0] =	ssyncadd.s32 @!p0 s1  }
0x35: {  	[bflag:$0x3] =	sbarrier.arrive $0xFFFF  }
0x36: {  	_ =	shalt  }

</sc_bundles>
